<compile_context>
chip_gen: v7x
topology: tpu7x:2x2x1
jax: 0.10.2.dev20260603
libtpu: 0.0.44.dev20260713+nightly
codegen_flags: <defaults>
</compile_context>

<pallas_src>
import jax
import jax.numpy as jnp
import numpy as np
from jax.experimental import pallas as pl

BF = jnp.bfloat16
F32 = jnp.float32

G = 56
T = G * G
PAD = G + 1
K = 512
D = 64

_j = np.arange(T) % G
_MASK_L = (_j >= 1).astype(np.float32).reshape(T, 1)
_MASK_R = (_j <= G - 2).astype(np.float32).reshape(T, 1)


def _shift(hp, t):
    return hp[PAD + t: PAD + t + T, :]


def _conv3x3(h_bf, w_ref, mask_l, mask_r):
    hp = jnp.pad(h_bf, ((PAD, PAD), (0, 0)))
    masks = {-1: mask_l, 1: mask_r}
    cols = []
    for dy in (-1, 0, 1):
        for dx in (-1, 0, 1):
            c = _shift(hp, dy * G + dx)
            if dx in masks:
                c = c * masks[dx]
            cols.append(c)
    patches = jnp.concatenate(cols, axis=1)
    return jnp.dot(patches, w_ref[...], preferred_element_type=F32)


def _vq_kernel(p_ref, w1_ref, b1_ref, w2_ref, b2_ref, w3_ref, b3_ref,
               ra_ref, rba_ref, rb_ref, rbb_ref,
               sa_ref, sba_ref, sb_ref, sbb_ref,
               w4_ref, b4_ref, ct_ref, cn_ref, cb_ref,
               ml_ref, mr_ref, out_ref):
    mask_l = ml_ref[...]
    mask_r = mr_ref[...]

    h1 = jnp.dot(p_ref[0].astype(BF), w1_ref[...], preferred_element_type=F32)
    h1 = jnp.maximum(h1 + b1_ref[...], 0.0).astype(BF)

    hps = [jnp.pad(h1[:, bi * 128:bi * 128 + 64], ((PAD, PAD), (0, 0)))
           for bi in range(4)]
    masks = {-1: mask_l, 1: mask_r}
    cols = []
    for ky in range(4):
        q = ky - 1
        u = q % 2
        a = (q - u) // 2
        for kx in range(4):
            r = kx - 1
            v = r % 2
            b = (r - v) // 2
            c = _shift(hps[u * 2 + v], a * G + b)
            if b in masks:
                c = c * masks[b]
            cols.append(c)
    patches = jnp.concatenate(cols, axis=1)
    h2 = jnp.dot(patches, w2_ref[...], preferred_element_type=F32)
    h2 = jnp.maximum(h2 + b2_ref[...], 0.0)

    h3 = _conv3x3(h2.astype(BF), w3_ref, mask_l, mask_r) + b3_ref[...]

    r = jnp.maximum(h3, 0.0).astype(BF)
    r = _conv3x3(r, ra_ref, mask_l, mask_r) + rba_ref[...]
    r = jnp.maximum(r, 0.0).astype(BF)
    r = jnp.dot(r, rb_ref[...], preferred_element_type=F32) + rbb_ref[...]
    h4 = h3 + r

    r = jnp.maximum(h4, 0.0).astype(BF)
    r = _conv3x3(r, sa_ref, mask_l, mask_r) + sba_ref[...]
    r = jnp.maximum(r, 0.0).astype(BF)
    r = jnp.dot(r, sb_ref[...], preferred_element_type=F32) + sbb_ref[...]
    h5 = h4 + r

    z = jnp.dot(jnp.maximum(h5, 0.0).astype(BF), w4_ref[...],
                preferred_element_type=F32) + b4_ref[...]

    s = jnp.dot(z.astype(BF), ct_ref[...], preferred_element_type=F32)
    z2 = jnp.sum(z * z, axis=1, keepdims=True)
    d = (z2 + cn_ref[...]) - 2.0 * s
    m = jnp.min(d, axis=1, keepdims=True)
    iota = jax.lax.broadcasted_iota(jnp.int32, (T, K), 1).astype(F32)
    idx = jnp.min(jnp.where(d == m, iota, 1e9), axis=1, keepdims=True)
    onehot = (iota == idx).astype(BF)
    out_ref[0] = jnp.dot(onehot, cb_ref[...], preferred_element_type=F32)


def kernel(x, w1, b1, w2, b2, w3, b3, rw1a, rb1a, rw1b, rb1b, rw2a, rb2a,
           rw2b, rb2b, w4, b4, codebook):
    bn = x.shape[0]

    sel = np.zeros((6, 3, 4, 64), np.float32)
    for u in range(2):
        for v in range(2):
            for ky in range(4):
                for kx in range(4):
                    q = (u * 2 + v) * 16 + ky * 4 + kx
                    c = 2 * v + kx - 1
                    sel[2 * u + ky, c // 4 + 1, c % 4, q] = 1.0
    p = jax.lax.conv_general_dilated(
        x.reshape(bn, 224, G, 4).astype(BF), jnp.asarray(sel, BF),
        (4, 1), [(1, 1), (1, 1)],
        dimension_numbers=('NHWC', 'HWIO', 'NHWC'),
        preferred_element_type=F32)
    p = p.reshape(bn, T, 64)

    w1r = w1.reshape(64, 16).T
    w1b = jnp.concatenate(
        [jnp.pad(w1r, ((uv * 16, 48 - uv * 16), (0, 64))) for uv in range(4)],
        axis=1).astype(BF)
    b1b = jnp.concatenate(
        [jnp.pad(b1.reshape(1, 64), ((0, 0), (0, 64)))] * 4, axis=1)
    w2r = w2.transpose(2, 3, 1, 0).reshape(16 * 64, 128).astype(BF)
    w3r = w3.transpose(2, 3, 1, 0).reshape(9 * 128, 128).astype(BF)
    rar = rw1a.transpose(2, 3, 1, 0).reshape(9 * 128, 32).astype(BF)
    rbr = rw1b[:, :, 0, 0].T.astype(BF)
    sar = rw2a.transpose(2, 3, 1, 0).reshape(9 * 128, 32).astype(BF)
    sbr = rw2b[:, :, 0, 0].T.astype(BF)
    w4r = w4[:, :, 0, 0].T.astype(BF)

    ct = codebook.T.astype(BF)
    cn = jnp.sum(codebook * codebook, axis=1).reshape(1, K)
    cb = codebook.astype(BF)

    b2r, b3r, rbar, rbbr, sbar, sbbr, b4r = (
        v.reshape(1, -1) for v in (b2, b3, rb1a, rb1b, rb2a, rb2b, b4))

    mask_l = jnp.asarray(_MASK_L).astype(BF)
    mask_r = jnp.asarray(_MASK_R).astype(BF)

    args = (p, w1b, b1b, w2r, b2r, w3r, b3r, rar, rbar, rbr, rbbr,
            sar, sbar, sbr, sbbr, w4r, b4r, ct, cn, cb, mask_l, mask_r)

    def full(arr):
        return pl.BlockSpec(arr.shape, lambda i, n=arr.ndim: (0,) * n)

    in_specs = [pl.BlockSpec((1, T, 64), lambda i: (i, 0, 0))]
    in_specs += [full(a) for a in args[1:]]

    out = pl.pallas_call(
        _vq_kernel,
        grid=(bn,),
        in_specs=in_specs,
        out_specs=pl.BlockSpec((1, T, D), lambda i: (i, 0, 0)),
        out_shape=jax.ShapeDtypeStruct((bn, T, D), F32),
    )(*args)
    return out.reshape(bn, G, G, D)

# --- scband reference (transcript-rebuilt; emitter-appended) ---
"""Pipeline reference for scband-vqvae-57681410785306 (READ-ONLY COPY).

The authoritative reference and input builder live on the scoring server;
editing this copy changes nothing except your own understanding.
"""

import jax, jax.numpy as jnp
import numpy as np


def conv2d(x, w, b, stride, pad):
    out = jax.lax.conv_general_dilated(
        x, w, (stride, stride), [(pad, pad), (pad, pad)],
        dimension_numbers=('NCHW', 'OIHW', 'NCHW'))
    return out + b[None, :, None, None]


def setup_inputs(seed: int = 0):
    key = jax.random.key(seed)
    ks = jax.random.split(key, 12)

    def p(k, shape):
        return jax.random.normal(k, shape, dtype=jnp.float32) * 0.05

    inp = {}
    inp['x'] = jax.random.normal(ks[0], (64, 1, 224, 224), dtype=jnp.float32)
    inp['w1'] = p(ks[1], (64, 1, 4, 4));    inp['b1'] = jnp.zeros((64,), jnp.float32)
    inp['w2'] = p(ks[2], (128, 64, 4, 4));  inp['b2'] = jnp.zeros((128,), jnp.float32)
    inp['w3'] = p(ks[3], (128, 128, 3, 3)); inp['b3'] = jnp.zeros((128,), jnp.float32)
    inp['rw1a'] = p(ks[4], (32, 128, 3, 3)); inp['rb1a'] = jnp.zeros((32,), jnp.float32)
    inp['rw1b'] = p(ks[5], (128, 32, 1, 1)); inp['rb1b'] = jnp.zeros((128,), jnp.float32)
    inp['rw2a'] = p(ks[6], (32, 128, 3, 3)); inp['rb2a'] = jnp.zeros((32,), jnp.float32)
    inp['rw2b'] = p(ks[7], (128, 32, 1, 1)); inp['rb2b'] = jnp.zeros((128,), jnp.float32)
    inp['w4'] = p(ks[8], (64, 128, 1, 1));  inp['b4'] = jnp.zeros((64,), jnp.float32)
    m = float(np.sqrt(3.0 / 512.0))
    inp['codebook'] = jax.random.uniform(ks[9], (512, 64), dtype=jnp.float32, minval=-m, maxval=m)
    return inp


def encoder(x, w1, b1, w2, b2, w3, b3, rw1a, rb1a, rw1b, rb1b, rw2a, rb2a, rw2b, rb2b, w4, b4):
    h = jax.nn.relu(conv2d(x, w1, b1, 2, 1))
    h = jax.nn.relu(conv2d(h, w2, b2, 2, 1))
    h = conv2d(h, w3, b3, 1, 1)
    r = conv2d(jax.nn.relu(conv2d(jax.nn.relu(h), rw1a, rb1a, 1, 1)), rw1b, rb1b, 1, 0)
    h = h + r
    r = conv2d(jax.nn.relu(conv2d(jax.nn.relu(h), rw2a, rb2a, 1, 1)), rw2b, rb2b, 1, 0)
    h = h + r
    h = conv2d(jax.nn.relu(h), w4, b4, 1, 0)
    return h


def vector_quantize(z, codebook):
    # z: [B, C=64, H', W'] -> move channel last, flatten tokens
    z = jnp.moveaxis(z, 1, -1)
    shp = z.shape
    flat = z.reshape(-1, shp[-1])
    # squared euclidean distance (cdist p=2 then **2)
    d = (jnp.sum(flat ** 2, axis=1, keepdims=True)
         + jnp.sum(codebook ** 2, axis=1)[None, :]
         - 2.0 * flat @ codebook.T)
    idx = jnp.argmin(d, axis=-1)
    onehot = jax.nn.one_hot(idx, 512, dtype=jnp.float32)
    onehot = onehot.reshape(shp[:-1] + (512,))
    quantized = onehot @ codebook
    return quantized


def reference(x, w1, b1, w2, b2, w3, b3, rw1a, rb1a, rw1b, rb1b, rw2a, rb2a, rw2b, rb2b, w4, b4, codebook):
    z = encoder(x, w1, b1, w2, b2, w3, b3, rw1a, rb1a, rw1b, rb1b, rw2a, rb2a, rw2b, rb2b, w4, b4)
    return vector_quantize(z, codebook)

if __name__ == "__main__":
    import jax
    _d = setup_inputs()
    print(jax.jit(kernel)(*tuple(_d.values())))

</pallas_src>

<mosaic_0001>
module attributes {stable_mosaic.version = 14 : i64} {
  func.func @_vq_kernel(%arg0: i32, %arg1: memref<1x3136x64xf32, #tpu.memory_space<vmem>>, %arg2: memref<64x512xbf16, #tpu.memory_space<vmem>>, %arg3: memref<1x512xf32, #tpu.memory_space<vmem>>, %arg4: memref<1024x128xbf16, #tpu.memory_space<vmem>>, %arg5: memref<1x128xf32, #tpu.memory_space<vmem>>, %arg6: memref<1152x128xbf16, #tpu.memory_space<vmem>>, %arg7: memref<1x128xf32, #tpu.memory_space<vmem>>, %arg8: memref<1152x32xbf16, #tpu.memory_space<vmem>>, %arg9: memref<1x32xf32, #tpu.memory_space<vmem>>, %arg10: memref<32x128xbf16, #tpu.memory_space<vmem>>, %arg11: memref<1x128xf32, #tpu.memory_space<vmem>>, %arg12: memref<1152x32xbf16, #tpu.memory_space<vmem>>, %arg13: memref<1x32xf32, #tpu.memory_space<vmem>>, %arg14: memref<32x128xbf16, #tpu.memory_space<vmem>>, %arg15: memref<1x128xf32, #tpu.memory_space<vmem>>, %arg16: memref<128x64xbf16, #tpu.memory_space<vmem>>, %arg17: memref<1x64xf32, #tpu.memory_space<vmem>>, %arg18: memref<64x512xbf16, #tpu.memory_space<vmem>>, %arg19: memref<1x512xf32, #tpu.memory_space<vmem>>, %arg20: memref<512x64xbf16, #tpu.memory_space<vmem>>, %arg21: memref<3136x1xbf16, #tpu.memory_space<vmem>>, %arg22: memref<3136x1xbf16, #tpu.memory_space<vmem>>, %arg23: memref<1x3136x64xf32, #tpu.memory_space<vmem>>) attributes {dimension_semantics = [#tpu.dimension_semantics<arbitrary>], iteration_bounds = array<i64: 64>, scalar_prefetch = 0 : i64, scratch_operands = 0 : i64, tpu.core_type = #tpu.core_type<tc>, window_params = [{transform_indices = @transform_0, window_bounds = array<i64: 1, 3136, 64>}, {pipeline_mode = #tpu.pipeline_mode<synchronous>, transform_indices = @transform_1, window_bounds = array<i64: 64, 512>}, {pipeline_mode = #tpu.pipeline_mode<synchronous>, transform_indices = @transform_2, window_bounds = array<i64: 1, 512>}, {pipeline_mode = #tpu.pipeline_mode<synchronous>, transform_indices = @transform_3, window_bounds = array<i64: 1024, 128>}, {pipeline_mode = #tpu.pipeline_mode<synchronous>, transform_indices = @transform_4, window_bounds = array<i64: 1, 128>}, {pipeline_mode = #tpu.pipeline_mode<synchronous>, transform_indices = @transform_5, window_bounds = array<i64: 1152, 128>}, {pipeline_mode = #tpu.pipeline_mode<synchronous>, transform_indices = @transform_6, window_bounds = array<i64: 1, 128>}, {pipeline_mode = #tpu.pipeline_mode<synchronous>, transform_indices = @transform_7, window_bounds = array<i64: 1152, 32>}, {pipeline_mode = #tpu.pipeline_mode<synchronous>, transform_indices = @transform_8, window_bounds = array<i64: 1, 32>}, {pipeline_mode = #tpu.pipeline_mode<synchronous>, transform_indices = @transform_9, window_bounds = array<i64: 32, 128>}, {pipeline_mode = #tpu.pipeline_mode<synchronous>, transform_indices = @transform_10, window_bounds = array<i64: 1, 128>}, {pipeline_mode = #tpu.pipeline_mode<synchronous>, transform_indices = @transform_11, window_bounds = array<i64: 1152, 32>}, {pipeline_mode = #tpu.pipeline_mode<synchronous>, transform_indices = @transform_12, window_bounds = array<i64: 1, 32>}, {pipeline_mode = #tpu.pipeline_mode<synchronous>, transform_indices = @transform_13, window_bounds = array<i64: 32, 128>}, {pipeline_mode = #tpu.pipeline_mode<synchronous>, transform_indices = @transform_14, window_bounds = array<i64: 1, 128>}, {pipeline_mode = #tpu.pipeline_mode<synchronous>, transform_indices = @transform_15, window_bounds = array<i64: 128, 64>}, {pipeline_mode = #tpu.pipeline_mode<synchronous>, transform_indices = @transform_16, window_bounds = array<i64: 1, 64>}, {pipeline_mode = #tpu.pipeline_mode<synchronous>, transform_indices = @transform_17, window_bounds = array<i64: 64, 512>}, {pipeline_mode = #tpu.pipeline_mode<synchronous>, transform_indices = @transform_18, window_bounds = array<i64: 1, 512>}, {pipeline_mode = #tpu.pipeline_mode<synchronous>, transform_indices = @transform_19, window_bounds = array<i64: 512, 64>}, {pipeline_mode = #tpu.pipeline_mode<synchronous>, transform_indices = @transform_20, window_bounds = array<i64: 3136, 1>}, {pipeline_mode = #tpu.pipeline_mode<synchronous>, transform_indices = @transform_21, window_bounds = array<i64: 3136, 1>}, {transform_indices = @transform_22, window_bounds = array<i64: 1, 3136, 64>}]} {
    %get3A = arith.constant 0 : index
    %get3A_0 = arith.constant 0 : index
    %get3A_1 = vector.load %arg21[%get3A, %get3A_0] : memref<3136x1xbf16, #tpu.memory_space<vmem>>, vector<3136x1xbf16>
    %get3A_2 = arith.constant 0 : index
    %get3A_3 = arith.constant 0 : index
    %get3A_4 = vector.load %arg22[%get3A_2, %get3A_3] : memref<3136x1xbf16, #tpu.memory_space<vmem>>, vector<3136x1xbf16>
    %get3A_5 = arith.constant 0 : index
    %get3A_6 = arith.constant 0 : index
    %get3A_7 = arith.constant 0 : index
    %get3A_8 = vector.load %arg1[%get3A_5, %get3A_6, %get3A_7] : memref<1x3136x64xf32, #tpu.memory_space<vmem>>, vector<1x3136x64xf32>
    %get3A_9 = vector.shape_cast %get3A_8 : vector<1x3136x64xf32> to vector<3136x64xf32>
    %convert_element_type3A = arith.truncf %get3A_9 : vector<3136x64xf32> to vector<3136x64xbf16>
    %get3A_10 = arith.constant 0 : index
    %get3A_11 = arith.constant 0 : index
    %get3A_12 = vector.load %arg2[%get3A_10, %get3A_11] : memref<64x512xbf16, #tpu.memory_space<vmem>>, vector<64x512xbf16>
    %dot_general3A = arith.constant dense<0.000000e+00> : vector<3136x512xf32>
    %dot_general3A_13 = tpu.matmul %convert_element_type3A, %get3A_12, %dot_general3A {dimension_numbers = #tpu.dot_dimension_numbers<[1], [0], [0], [1], [0, 0, 1, 1], [], []>, transpose_lhs_hint = false} : vector<3136x64xbf16>, vector<64x512xbf16>, vector<3136x512xf32> -> vector<3136x512xf32>
    %get3A_14 = arith.constant 0 : index
    %get3A_15 = arith.constant 0 : index
    %get3A_16 = vector.load %arg3[%get3A_14, %get3A_15] : memref<1x512xf32, #tpu.memory_space<vmem>>, vector<1x512xf32>
    %add3A = vector.broadcast %get3A_16 : vector<1x512xf32> to vector<3136x512xf32>
    %add3A_17 = arith.addf %dot_general3A_13, %add3A : vector<3136x512xf32>
    %max3A = arith.constant 0.000000e+00 : f32
    %max3A_18 = vector.broadcast %max3A : f32 to vector<3136x512xf32>
    %max3A_19 = arith.maximumf %add3A_17, %max3A_18 : vector<3136x512xf32>
    %convert_element_type3A_20 = arith.truncf %max3A_19 : vector<3136x512xf32> to vector<3136x512xbf16>
    %slice3A = vector.extract_strided_slice %convert_element_type3A_20 {offsets = [0, 0], sizes = [3136, 64], strides = [1, 1]} : vector<3136x512xbf16> to vector<3136x64xbf16>
    %jit3A = arith.constant 0 : i32
    %convert_element_type3A_21 = arith.sitofp %jit3A : i32 to bf16
    %pad3A = vector.broadcast %convert_element_type3A_21 : bf16 to vector<57x64xbf16>
    %pad3A_22 = tpu.concatenate %pad3A, %slice3A in 0 : vector<57x64xbf16>, vector<3136x64xbf16> -> vector<3193x64xbf16>
    %pad3A_23 = vector.broadcast %convert_element_type3A_21 : bf16 to vector<57x64xbf16>
    %pad3A_24 = tpu.concatenate %pad3A_22, %pad3A_23 in 0 : vector<3193x64xbf16>, vector<57x64xbf16> -> vector<3250x64xbf16>
    %slice3A_25 = vector.extract_strided_slice %convert_element_type3A_20 {offsets = [0, 128], sizes = [3136, 64], strides = [1, 1]} : vector<3136x512xbf16> to vector<3136x64xbf16>
    %jit3A_26 = arith.constant 0 : i32
    %convert_element_type3A_27 = arith.sitofp %jit3A_26 : i32 to bf16
    %pad3A_28 = vector.broadcast %convert_element_type3A_27 : bf16 to vector<57x64xbf16>
    %pad3A_29 = tpu.concatenate %pad3A_28, %slice3A_25 in 0 : vector<57x64xbf16>, vector<3136x64xbf16> -> vector<3193x64xbf16>
    %pad3A_30 = vector.broadcast %convert_element_type3A_27 : bf16 to vector<57x64xbf16>
    %pad3A_31 = tpu.concatenate %pad3A_29, %pad3A_30 in 0 : vector<3193x64xbf16>, vector<57x64xbf16> -> vector<3250x64xbf16>
    %slice3A_32 = vector.extract_strided_slice %convert_element_type3A_20 {offsets = [0, 256], sizes = [3136, 64], strides = [1, 1]} : vector<3136x512xbf16> to vector<3136x64xbf16>
    %jit3A_33 = arith.constant 0 : i32
    %convert_element_type3A_34 = arith.sitofp %jit3A_33 : i32 to bf16
    %pad3A_35 = vector.broadcast %convert_element_type3A_34 : bf16 to vector<57x64xbf16>
    %pad3A_36 = tpu.concatenate %pad3A_35, %slice3A_32 in 0 : vector<57x64xbf16>, vector<3136x64xbf16> -> vector<3193x64xbf16>
    %pad3A_37 = vector.broadcast %convert_element_type3A_34 : bf16 to vector<57x64xbf16>
    %pad3A_38 = tpu.concatenate %pad3A_36, %pad3A_37 in 0 : vector<3193x64xbf16>, vector<57x64xbf16> -> vector<3250x64xbf16>
    %slice3A_39 = vector.extract_strided_slice %convert_element_type3A_20 {offsets = [0, 384], sizes = [3136, 64], strides = [1, 1]} : vector<3136x512xbf16> to vector<3136x64xbf16>
    %jit3A_40 = arith.constant 0 : i32
    %convert_element_type3A_41 = arith.sitofp %jit3A_40 : i32 to bf16
    %pad3A_42 = vector.broadcast %convert_element_type3A_41 : bf16 to vector<57x64xbf16>
    %pad3A_43 = tpu.concatenate %pad3A_42, %slice3A_39 in 0 : vector<57x64xbf16>, vector<3136x64xbf16> -> vector<3193x64xbf16>
    %pad3A_44 = vector.broadcast %convert_element_type3A_41 : bf16 to vector<57x64xbf16>
    %pad3A_45 = tpu.concatenate %pad3A_43, %pad3A_44 in 0 : vector<3193x64xbf16>, vector<57x64xbf16> -> vector<3250x64xbf16>
    %slice3A_46 = vector.extract_strided_slice %pad3A_45 {offsets = [0, 0], sizes = [3136, 64], strides = [1, 1]} : vector<3250x64xbf16> to vector<3136x64xbf16>
    %mul3A = vector.broadcast %get3A_1 : vector<3136x1xbf16> to vector<3136x64xbf16>
    %mul3A_47 = arith.mulf %slice3A_46, %mul3A : vector<3136x64xbf16>
    %slice3A_48 = vector.extract_strided_slice %pad3A_38 {offsets = [1, 0], sizes = [3136, 64], strides = [1, 1]} : vector<3250x64xbf16> to vector<3136x64xbf16>
    %slice3A_49 = vector.extract_strided_slice %pad3A_45 {offsets = [1, 0], sizes = [3136, 64], strides = [1, 1]} : vector<3250x64xbf16> to vector<3136x64xbf16>
    %slice3A_50 = vector.extract_strided_slice %pad3A_38 {offsets = [2, 0], sizes = [3136, 64], strides = [1, 1]} : vector<3250x64xbf16> to vector<3136x64xbf16>
    %mul3A_51 = vector.broadcast %get3A_4 : vector<3136x1xbf16> to vector<3136x64xbf16>
    %mul3A_52 = arith.mulf %slice3A_50, %mul3A_51 : vector<3136x64xbf16>
    %slice3A_53 = vector.extract_strided_slice %pad3A_31 {offsets = [56, 0], sizes = [3136, 64], strides = [1, 1]} : vector<3250x64xbf16> to vector<3136x64xbf16>
    %mul3A_54 = vector.broadcast %get3A_1 : vector<3136x1xbf16> to vector<3136x64xbf16>
    %mul3A_55 = arith.mulf %slice3A_53, %mul3A_54 : vector<3136x64xbf16>
    %slice3A_56 = vector.extract_strided_slice %pad3A_24 {offsets = [57, 0], sizes = [3136, 64], strides = [1, 1]} : vector<3250x64xbf16> to vector<3136x64xbf16>
    %slice3A_57 = vector.extract_strided_slice %pad3A_31 {offsets = [57, 0], sizes = [3136, 64], strides = [1, 1]} : vector<3250x64xbf16> to vector<3136x64xbf16>
    %slice3A_58 = vector.extract_strided_slice %pad3A_24 {offsets = [58, 0], sizes = [3136, 64], strides = [1, 1]} : vector<3250x64xbf16> to vector<3136x64xbf16>
    %mul3A_59 = vector.broadcast %get3A_4 : vector<3136x1xbf16> to vector<3136x64xbf16>
    %mul3A_60 = arith.mulf %slice3A_58, %mul3A_59 : vector<3136x64xbf16>
    %slice3A_61 = vector.extract_strided_slice %pad3A_45 {offsets = [56, 0], sizes = [3136, 64], strides = [1, 1]} : vector<3250x64xbf16> to vector<3136x64xbf16>
    %mul3A_62 = vector.broadcast %get3A_1 : vector<3136x1xbf16> to vector<3136x64xbf16>
    %mul3A_63 = arith.mulf %slice3A_61, %mul3A_62 : vector<3136x64xbf16>
    %slice3A_64 = vector.extract_strided_slice %pad3A_38 {offsets = [57, 0], sizes = [3136, 64], strides = [1, 1]} : vector<3250x64xbf16> to vector<3136x64xbf16>
    %slice3A_65 = vector.extract_strided_slice %pad3A_45 {offsets = [57, 0], sizes = [3136, 64], strides = [1, 1]} : vector<3250x64xbf16> to vector<3136x64xbf16>
    %slice3A_66 = vector.extract_strided_slice %pad3A_38 {offsets = [58, 0], sizes = [3136, 64], strides = [1, 1]} : vector<3250x64xbf16> to vector<3136x64xbf16>
    %mul3A_67 = vector.broadcast %get3A_4 : vector<3136x1xbf16> to vector<3136x64xbf16>
    %mul3A_68 = arith.mulf %slice3A_66, %mul3A_67 : vector<3136x64xbf16>
    %slice3A_69 = vector.extract_strided_slice %pad3A_31 {offsets = [112, 0], sizes = [3136, 64], strides = [1, 1]} : vector<3250x64xbf16> to vector<3136x64xbf16>
    %mul3A_70 = vector.broadcast %get3A_1 : vector<3136x1xbf16> to vector<3136x64xbf16>
    %mul3A_71 = arith.mulf %slice3A_69, %mul3A_70 : vector<3136x64xbf16>
    %slice3A_72 = vector.extract_strided_slice %pad3A_24 {offsets = [113, 0], sizes = [3136, 64], strides = [1, 1]} : vector<3250x64xbf16> to vector<3136x64xbf16>
    %slice3A_73 = vector.extract_strided_slice %pad3A_31 {offsets = [113, 0], sizes = [3136, 64], strides = [1, 1]} : vector<3250x64xbf16> to vector<3136x64xbf16>
    %slice3A_74 = vector.extract_strided_slice %pad3A_24 {offsets = [114, 0], sizes = [3136, 64], strides = [1, 1]} : vector<3250x64xbf16> to vector<3136x64xbf16>
    %mul3A_75 = vector.broadcast %get3A_4 : vector<3136x1xbf16> to vector<3136x64xbf16>
    %mul3A_76 = arith.mulf %slice3A_74, %mul3A_75 : vector<3136x64xbf16>
    %concatenate3A = tpu.concatenate %mul3A_47, %slice3A_48, %slice3A_49, %mul3A_52, %mul3A_55, %slice3A_56, %slice3A_57, %mul3A_60, %mul3A_63, %slice3A_64, %slice3A_65, %mul3A_68, %mul3A_71, %slice3A_72, %slice3A_73, %mul3A_76 in 1 : vector<3136x64xbf16>, vector<3136x64xbf16>, vector<3136x64xbf16>, vector<3136x64xbf16>, vector<3136x64xbf16>, vector<3136x64xbf16>, vector<3136x64xbf16>, vector<3136x64xbf16>, vector<3136x64xbf16>, vector<3136x64xbf16>, vector<3136x64xbf16>, vector<3136x64xbf16>, vector<3136x64xbf16>, vector<3136x64xbf16>, vector<3136x64xbf16>, vector<3136x64xbf16> -> vector<3136x1024xbf16>
    %get3A_77 = arith.constant 0 : index
    %get3A_78 = arith.constant 0 : index
    %get3A_79 = vector.load %arg4[%get3A_77, %get3A_78] : memref<1024x128xbf16, #tpu.memory_space<vmem>>, vector<1024x128xbf16>
    %dot_general3A_80 = arith.constant dense<0.000000e+00> : vector<3136x128xf32>
    %dot_general3A_81 = tpu.matmul %concatenate3A, %get3A_79, %dot_general3A_80 {dimension_numbers = #tpu.dot_dimension_numbers<[1], [0], [0], [1], [0, 0, 1, 1], [], []>, transpose_lhs_hint = false} : vector<3136x1024xbf16>, vector<1024x128xbf16>, vector<3136x128xf32> -> vector<3136x128xf32>
    %get3A_82 = arith.constant 0 : index
    %get3A_83 = arith.constant 0 : index
    %get3A_84 = vector.load %arg5[%get3A_82, %get3A_83] : memref<1x128xf32, #tpu.memory_space<vmem>>, vector<1x128xf32>
    %add3A_85 = vector.broadcast %get3A_84 : vector<1x128xf32> to vector<3136x128xf32>
    %add3A_86 = arith.addf %dot_general3A_81, %add3A_85 : vector<3136x128xf32>
    %max3A_87 = arith.constant 0.000000e+00 : f32
    %max3A_88 = vector.broadcast %max3A_87 : f32 to vector<3136x128xf32>
    %max3A_89 = arith.maximumf %add3A_86, %max3A_88 : vector<3136x128xf32>
    %convert_element_type3A_90 = arith.truncf %max3A_89 : vector<3136x128xf32> to vector<3136x128xbf16>
    %jit3A_91 = arith.constant 0 : i32
    %convert_element_type3A_92 = arith.sitofp %jit3A_91 : i32 to bf16
    %pad3A_93 = vector.broadcast %convert_element_type3A_92 : bf16 to vector<57x128xbf16>
    %pad3A_94 = tpu.concatenate %pad3A_93, %convert_element_type3A_90 in 0 : vector<57x128xbf16>, vector<3136x128xbf16> -> vector<3193x128xbf16>
    %pad3A_95 = vector.broadcast %convert_element_type3A_92 : bf16 to vector<57x128xbf16>
    %pad3A_96 = tpu.concatenate %pad3A_94, %pad3A_95 in 0 : vector<3193x128xbf16>, vector<57x128xbf16> -> vector<3250x128xbf16>
    %slice3A_97 = vector.extract_strided_slice %pad3A_96 {offsets = [0, 0], sizes = [3136, 128], strides = [1, 1]} : vector<3250x128xbf16> to vector<3136x128xbf16>
    %mul3A_98 = vector.broadcast %get3A_1 : vector<3136x1xbf16> to vector<3136x128xbf16>
    %mul3A_99 = arith.mulf %slice3A_97, %mul3A_98 : vector<3136x128xbf16>
    %slice3A_100 = vector.extract_strided_slice %pad3A_96 {offsets = [1, 0], sizes = [3136, 128], strides = [1, 1]} : vector<3250x128xbf16> to vector<3136x128xbf16>
    %slice3A_101 = vector.extract_strided_slice %pad3A_96 {offsets = [2, 0], sizes = [3136, 128], strides = [1, 1]} : vector<3250x128xbf16> to vector<3136x128xbf16>
    %mul3A_102 = vector.broadcast %get3A_4 : vector<3136x1xbf16> to vector<3136x128xbf16>
    %mul3A_103 = arith.mulf %slice3A_101, %mul3A_102 : vector<3136x128xbf16>
    %slice3A_104 = vector.extract_strided_slice %pad3A_96 {offsets = [56, 0], sizes = [3136, 128], strides = [1, 1]} : vector<3250x128xbf16> to vector<3136x128xbf16>
    %mul3A_105 = vector.broadcast %get3A_1 : vector<3136x1xbf16> to vector<3136x128xbf16>
    %mul3A_106 = arith.mulf %slice3A_104, %mul3A_105 : vector<3136x128xbf16>
    %slice3A_107 = vector.extract_strided_slice %pad3A_96 {offsets = [57, 0], sizes = [3136, 128], strides = [1, 1]} : vector<3250x128xbf16> to vector<3136x128xbf16>
    %slice3A_108 = vector.extract_strided_slice %pad3A_96 {offsets = [58, 0], sizes = [3136, 128], strides = [1, 1]} : vector<3250x128xbf16> to vector<3136x128xbf16>
    %mul3A_109 = vector.broadcast %get3A_4 : vector<3136x1xbf16> to vector<3136x128xbf16>
    %mul3A_110 = arith.mulf %slice3A_108, %mul3A_109 : vector<3136x128xbf16>
    %slice3A_111 = vector.extract_strided_slice %pad3A_96 {offsets = [112, 0], sizes = [3136, 128], strides = [1, 1]} : vector<3250x128xbf16> to vector<3136x128xbf16>
    %mul3A_112 = vector.broadcast %get3A_1 : vector<3136x1xbf16> to vector<3136x128xbf16>
    %mul3A_113 = arith.mulf %slice3A_111, %mul3A_112 : vector<3136x128xbf16>
    %slice3A_114 = vector.extract_strided_slice %pad3A_96 {offsets = [113, 0], sizes = [3136, 128], strides = [1, 1]} : vector<3250x128xbf16> to vector<3136x128xbf16>
    %slice3A_115 = vector.extract_strided_slice %pad3A_96 {offsets = [114, 0], sizes = [3136, 128], strides = [1, 1]} : vector<3250x128xbf16> to vector<3136x128xbf16>
    %mul3A_116 = vector.broadcast %get3A_4 : vector<3136x1xbf16> to vector<3136x128xbf16>
    %mul3A_117 = arith.mulf %slice3A_115, %mul3A_116 : vector<3136x128xbf16>
    %concatenate3A_118 = tpu.concatenate %mul3A_99, %slice3A_100, %mul3A_103, %mul3A_106, %slice3A_107, %mul3A_110, %mul3A_113, %slice3A_114, %mul3A_117 in 1 : vector<3136x128xbf16>, vector<3136x128xbf16>, vector<3136x128xbf16>, vector<3136x128xbf16>, vector<3136x128xbf16>, vector<3136x128xbf16>, vector<3136x128xbf16>, vector<3136x128xbf16>, vector<3136x128xbf16> -> vector<3136x1152xbf16>
    %get3A_119 = arith.constant 0 : index
    %get3A_120 = arith.constant 0 : index
    %get3A_121 = vector.load %arg6[%get3A_119, %get3A_120] : memref<1152x128xbf16, #tpu.memory_space<vmem>>, vector<1152x128xbf16>
    %dot_general3A_122 = arith.constant dense<0.000000e+00> : vector<3136x128xf32>
    %dot_general3A_123 = tpu.matmul %concatenate3A_118, %get3A_121, %dot_general3A_122 {dimension_numbers = #tpu.dot_dimension_numbers<[1], [0], [0], [1], [0, 0, 1, 1], [], []>, transpose_lhs_hint = false} : vector<3136x1152xbf16>, vector<1152x128xbf16>, vector<3136x128xf32> -> vector<3136x128xf32>
    %get3A_124 = arith.constant 0 : index
    %get3A_125 = arith.constant 0 : index
    %get3A_126 = vector.load %arg7[%get3A_124, %get3A_125] : memref<1x128xf32, #tpu.memory_space<vmem>>, vector<1x128xf32>
    %add3A_127 = vector.broadcast %get3A_126 : vector<1x128xf32> to vector<3136x128xf32>
    %add3A_128 = arith.addf %dot_general3A_123, %add3A_127 : vector<3136x128xf32>
    %max3A_129 = arith.constant 0.000000e+00 : f32
    %max3A_130 = vector.broadcast %max3A_129 : f32 to vector<3136x128xf32>
    %max3A_131 = arith.maximumf %add3A_128, %max3A_130 : vector<3136x128xf32>
    %convert_element_type3A_132 = arith.truncf %max3A_131 : vector<3136x128xf32> to vector<3136x128xbf16>
    %jit3A_133 = arith.constant 0 : i32
    %convert_element_type3A_134 = arith.sitofp %jit3A_133 : i32 to bf16
    %pad3A_135 = vector.broadcast %convert_element_type3A_134 : bf16 to vector<57x128xbf16>
    %pad3A_136 = tpu.concatenate %pad3A_135, %convert_element_type3A_132 in 0 : vector<57x128xbf16>, vector<3136x128xbf16> -> vector<3193x128xbf16>
    %pad3A_137 = vector.broadcast %convert_element_type3A_134 : bf16 to vector<57x128xbf16>
    %pad3A_138 = tpu.concatenate %pad3A_136, %pad3A_137 in 0 : vector<3193x128xbf16>, vector<57x128xbf16> -> vector<3250x128xbf16>
    %slice3A_139 = vector.extract_strided_slice %pad3A_138 {offsets = [0, 0], sizes = [3136, 128], strides = [1, 1]} : vector<3250x128xbf16> to vector<3136x128xbf16>
    %mul3A_140 = vector.broadcast %get3A_1 : vector<3136x1xbf16> to vector<3136x128xbf16>
    %mul3A_141 = arith.mulf %slice3A_139, %mul3A_140 : vector<3136x128xbf16>
    %slice3A_142 = vector.extract_strided_slice %pad3A_138 {offsets = [1, 0], sizes = [3136, 128], strides = [1, 1]} : vector<3250x128xbf16> to vector<3136x128xbf16>
    %slice3A_143 = vector.extract_strided_slice %pad3A_138 {offsets = [2, 0], sizes = [3136, 128], strides = [1, 1]} : vector<3250x128xbf16> to vector<3136x128xbf16>
    %mul3A_144 = vector.broadcast %get3A_4 : vector<3136x1xbf16> to vector<3136x128xbf16>
    %mul3A_145 = arith.mulf %slice3A_143, %mul3A_144 : vector<3136x128xbf16>
    %slice3A_146 = vector.extract_strided_slice %pad3A_138 {offsets = [56, 0], sizes = [3136, 128], strides = [1, 1]} : vector<3250x128xbf16> to vector<3136x128xbf16>
    %mul3A_147 = vector.broadcast %get3A_1 : vector<3136x1xbf16> to vector<3136x128xbf16>
    %mul3A_148 = arith.mulf %slice3A_146, %mul3A_147 : vector<3136x128xbf16>
    %slice3A_149 = vector.extract_strided_slice %pad3A_138 {offsets = [57, 0], sizes = [3136, 128], strides = [1, 1]} : vector<3250x128xbf16> to vector<3136x128xbf16>
    %slice3A_150 = vector.extract_strided_slice %pad3A_138 {offsets = [58, 0], sizes = [3136, 128], strides = [1, 1]} : vector<3250x128xbf16> to vector<3136x128xbf16>
    %mul3A_151 = vector.broadcast %get3A_4 : vector<3136x1xbf16> to vector<3136x128xbf16>
    %mul3A_152 = arith.mulf %slice3A_150, %mul3A_151 : vector<3136x128xbf16>
    %slice3A_153 = vector.extract_strided_slice %pad3A_138 {offsets = [112, 0], sizes = [3136, 128], strides = [1, 1]} : vector<3250x128xbf16> to vector<3136x128xbf16>
    %mul3A_154 = vector.broadcast %get3A_1 : vector<3136x1xbf16> to vector<3136x128xbf16>
    %mul3A_155 = arith.mulf %slice3A_153, %mul3A_154 : vector<3136x128xbf16>
    %slice3A_156 = vector.extract_strided_slice %pad3A_138 {offsets = [113, 0], sizes = [3136, 128], strides = [1, 1]} : vector<3250x128xbf16> to vector<3136x128xbf16>
    %slice3A_157 = vector.extract_strided_slice %pad3A_138 {offsets = [114, 0], sizes = [3136, 128], strides = [1, 1]} : vector<3250x128xbf16> to vector<3136x128xbf16>
    %mul3A_158 = vector.broadcast %get3A_4 : vector<3136x1xbf16> to vector<3136x128xbf16>
    %mul3A_159 = arith.mulf %slice3A_157, %mul3A_158 : vector<3136x128xbf16>
    %concatenate3A_160 = tpu.concatenate %mul3A_141, %slice3A_142, %mul3A_145, %mul3A_148, %slice3A_149, %mul3A_152, %mul3A_155, %slice3A_156, %mul3A_159 in 1 : vector<3136x128xbf16>, vector<3136x128xbf16>, vector<3136x128xbf16>, vector<3136x128xbf16>, vector<3136x128xbf16>, vector<3136x128xbf16>, vector<3136x128xbf16>, vector<3136x128xbf16>, vector<3136x128xbf16> -> vector<3136x1152xbf16>
    %get3A_161 = arith.constant 0 : index
    %get3A_162 = arith.constant 0 : index
    %get3A_163 = vector.load %arg8[%get3A_161, %get3A_162] : memref<1152x32xbf16, #tpu.memory_space<vmem>>, vector<1152x32xbf16>
    %dot_general3A_164 = arith.constant dense<0.000000e+00> : vector<3136x32xf32>
    %dot_general3A_165 = tpu.matmul %concatenate3A_160, %get3A_163, %dot_general3A_164 {dimension_numbers = #tpu.dot_dimension_numbers<[1], [0], [0], [1], [0, 0, 1, 1], [], []>, transpose_lhs_hint = false} : vector<3136x1152xbf16>, vector<1152x32xbf16>, vector<3136x32xf32> -> vector<3136x32xf32>
    %get3A_166 = arith.constant 0 : index
    %get3A_167 = arith.constant 0 : index
    %get3A_168 = vector.load %arg9[%get3A_166, %get3A_167] : memref<1x32xf32, #tpu.memory_space<vmem>>, vector<1x32xf32>
    %add3A_169 = vector.broadcast %get3A_168 : vector<1x32xf32> to vector<3136x32xf32>
    %add3A_170 = arith.addf %dot_general3A_165, %add3A_169 : vector<3136x32xf32>
    %max3A_171 = arith.constant 0.000000e+00 : f32
    %max3A_172 = vector.broadcast %max3A_171 : f32 to vector<3136x32xf32>
    %max3A_173 = arith.maximumf %add3A_170, %max3A_172 : vector<3136x32xf32>
    %convert_element_type3A_174 = arith.truncf %max3A_173 : vector<3136x32xf32> to vector<3136x32xbf16>
    %get3A_175 = arith.constant 0 : index
    %get3A_176 = arith.constant 0 : index
    %get3A_177 = vector.load %arg10[%get3A_175, %get3A_176] : memref<32x128xbf16, #tpu.memory_space<vmem>>, vector<32x128xbf16>
    %dot_general3A_178 = arith.constant dense<0.000000e+00> : vector<3136x128xf32>
    %dot_general3A_179 = tpu.matmul %convert_element_type3A_174, %get3A_177, %dot_general3A_178 {dimension_numbers = #tpu.dot_dimension_numbers<[1], [0], [0], [1], [0, 0, 1, 1], [], []>, transpose_lhs_hint = false} : vector<3136x32xbf16>, vector<32x128xbf16>, vector<3136x128xf32> -> vector<3136x128xf32>
    %get3A_180 = arith.constant 0 : index
    %get3A_181 = arith.constant 0 : index
    %get3A_182 = vector.load %arg11[%get3A_180, %get3A_181] : memref<1x128xf32, #tpu.memory_space<vmem>>, vector<1x128xf32>
    %add3A_183 = vector.broadcast %get3A_182 : vector<1x128xf32> to vector<3136x128xf32>
    %add3A_184 = arith.addf %dot_general3A_179, %add3A_183 : vector<3136x128xf32>
    %add3A_185 = arith.addf %add3A_128, %add3A_184 : vector<3136x128xf32>
    %max3A_186 = arith.constant 0.000000e+00 : f32
    %max3A_187 = vector.broadcast %max3A_186 : f32 to vector<3136x128xf32>
    %max3A_188 = arith.maximumf %add3A_185, %max3A_187 : vector<3136x128xf32>
    %convert_element_type3A_189 = arith.truncf %max3A_188 : vector<3136x128xf32> to vector<3136x128xbf16>
    %jit3A_190 = arith.constant 0 : i32
    %convert_element_type3A_191 = arith.sitofp %jit3A_190 : i32 to bf16
    %pad3A_192 = vector.broadcast %convert_element_type3A_191 : bf16 to vector<57x128xbf16>
    %pad3A_193 = tpu.concatenate %pad3A_192, %convert_element_type3A_189 in 0 : vector<57x128xbf16>, vector<3136x128xbf16> -> vector<3193x128xbf16>
    %pad3A_194 = vector.broadcast %convert_element_type3A_191 : bf16 to vector<57x128xbf16>
    %pad3A_195 = tpu.concatenate %pad3A_193, %pad3A_194 in 0 : vector<3193x128xbf16>, vector<57x128xbf16> -> vector<3250x128xbf16>
    %slice3A_196 = vector.extract_strided_slice %pad3A_195 {offsets = [0, 0], sizes = [3136, 128], strides = [1, 1]} : vector<3250x128xbf16> to vector<3136x128xbf16>
    %mul3A_197 = vector.broadcast %get3A_1 : vector<3136x1xbf16> to vector<3136x128xbf16>
    %mul3A_198 = arith.mulf %slice3A_196, %mul3A_197 : vector<3136x128xbf16>
    %slice3A_199 = vector.extract_strided_slice %pad3A_195 {offsets = [1, 0], sizes = [3136, 128], strides = [1, 1]} : vector<3250x128xbf16> to vector<3136x128xbf16>
    %slice3A_200 = vector.extract_strided_slice %pad3A_195 {offsets = [2, 0], sizes = [3136, 128], strides = [1, 1]} : vector<3250x128xbf16> to vector<3136x128xbf16>
    %mul3A_201 = vector.broadcast %get3A_4 : vector<3136x1xbf16> to vector<3136x128xbf16>
    %mul3A_202 = arith.mulf %slice3A_200, %mul3A_201 : vector<3136x128xbf16>
    %slice3A_203 = vector.extract_strided_slice %pad3A_195 {offsets = [56, 0], sizes = [3136, 128], strides = [1, 1]} : vector<3250x128xbf16> to vector<3136x128xbf16>
    %mul3A_204 = vector.broadcast %get3A_1 : vector<3136x1xbf16> to vector<3136x128xbf16>
    %mul3A_205 = arith.mulf %slice3A_203, %mul3A_204 : vector<3136x128xbf16>
    %slice3A_206 = vector.extract_strided_slice %pad3A_195 {offsets = [57, 0], sizes = [3136, 128], strides = [1, 1]} : vector<3250x128xbf16> to vector<3136x128xbf16>
    %slice3A_207 = vector.extract_strided_slice %pad3A_195 {offsets = [58, 0], sizes = [3136, 128], strides = [1, 1]} : vector<3250x128xbf16> to vector<3136x128xbf16>
    %mul3A_208 = vector.broadcast %get3A_4 : vector<3136x1xbf16> to vector<3136x128xbf16>
    %mul3A_209 = arith.mulf %slice3A_207, %mul3A_208 : vector<3136x128xbf16>
    %slice3A_210 = vector.extract_strided_slice %pad3A_195 {offsets = [112, 0], sizes = [3136, 128], strides = [1, 1]} : vector<3250x128xbf16> to vector<3136x128xbf16>
    %mul3A_211 = vector.broadcast %get3A_1 : vector<3136x1xbf16> to vector<3136x128xbf16>
    %mul3A_212 = arith.mulf %slice3A_210, %mul3A_211 : vector<3136x128xbf16>
    %slice3A_213 = vector.extract_strided_slice %pad3A_195 {offsets = [113, 0], sizes = [3136, 128], strides = [1, 1]} : vector<3250x128xbf16> to vector<3136x128xbf16>
    %slice3A_214 = vector.extract_strided_slice %pad3A_195 {offsets = [114, 0], sizes = [3136, 128], strides = [1, 1]} : vector<3250x128xbf16> to vector<3136x128xbf16>
    %mul3A_215 = vector.broadcast %get3A_4 : vector<3136x1xbf16> to vector<3136x128xbf16>
    %mul3A_216 = arith.mulf %slice3A_214, %mul3A_215 : vector<3136x128xbf16>
    %concatenate3A_217 = tpu.concatenate %mul3A_198, %slice3A_199, %mul3A_202, %mul3A_205, %slice3A_206, %mul3A_209, %mul3A_212, %slice3A_213, %mul3A_216 in 1 : vector<3136x128xbf16>, vector<3136x128xbf16>, vector<3136x128xbf16>, vector<3136x128xbf16>, vector<3136x128xbf16>, vector<3136x128xbf16>, vector<3136x128xbf16>, vector<3136x128xbf16>, vector<3136x128xbf16> -> vector<3136x1152xbf16>
    %get3A_218 = arith.constant 0 : index
    %get3A_219 = arith.constant 0 : index
    %get3A_220 = vector.load %arg12[%get3A_218, %get3A_219] : memref<1152x32xbf16, #tpu.memory_space<vmem>>, vector<1152x32xbf16>
    %dot_general3A_221 = arith.constant dense<0.000000e+00> : vector<3136x32xf32>
    %dot_general3A_222 = tpu.matmul %concatenate3A_217, %get3A_220, %dot_general3A_221 {dimension_numbers = #tpu.dot_dimension_numbers<[1], [0], [0], [1], [0, 0, 1, 1], [], []>, transpose_lhs_hint = false} : vector<3136x1152xbf16>, vector<1152x32xbf16>, vector<3136x32xf32> -> vector<3136x32xf32>
    %get3A_223 = arith.constant 0 : index
    %get3A_224 = arith.constant 0 : index
    %get3A_225 = vector.load %arg13[%get3A_223, %get3A_224] : memref<1x32xf32, #tpu.memory_space<vmem>>, vector<1x32xf32>
    %add3A_226 = vector.broadcast %get3A_225 : vector<1x32xf32> to vector<3136x32xf32>
    %add3A_227 = arith.addf %dot_general3A_222, %add3A_226 : vector<3136x32xf32>
    %max3A_228 = arith.constant 0.000000e+00 : f32
    %max3A_229 = vector.broadcast %max3A_228 : f32 to vector<3136x32xf32>
    %max3A_230 = arith.maximumf %add3A_227, %max3A_229 : vector<3136x32xf32>
    %convert_element_type3A_231 = arith.truncf %max3A_230 : vector<3136x32xf32> to vector<3136x32xbf16>
    %get3A_232 = arith.constant 0 : index
    %get3A_233 = arith.constant 0 : index
    %get3A_234 = vector.load %arg14[%get3A_232, %get3A_233] : memref<32x128xbf16, #tpu.memory_space<vmem>>, vector<32x128xbf16>
    %dot_general3A_235 = arith.constant dense<0.000000e+00> : vector<3136x128xf32>
    %dot_general3A_236 = tpu.matmul %convert_element_type3A_231, %get3A_234, %dot_general3A_235 {dimension_numbers = #tpu.dot_dimension_numbers<[1], [0], [0], [1], [0, 0, 1, 1], [], []>, transpose_lhs_hint = false} : vector<3136x32xbf16>, vector<32x128xbf16>, vector<3136x128xf32> -> vector<3136x128xf32>
    %get3A_237 = arith.constant 0 : index
    %get3A_238 = arith.constant 0 : index
    %get3A_239 = vector.load %arg15[%get3A_237, %get3A_238] : memref<1x128xf32, #tpu.memory_space<vmem>>, vector<1x128xf32>
    %add3A_240 = vector.broadcast %get3A_239 : vector<1x128xf32> to vector<3136x128xf32>
    %add3A_241 = arith.addf %dot_general3A_236, %add3A_240 : vector<3136x128xf32>
    %add3A_242 = arith.addf %add3A_185, %add3A_241 : vector<3136x128xf32>
    %max3A_243 = arith.constant 0.000000e+00 : f32
    %max3A_244 = vector.broadcast %max3A_243 : f32 to vector<3136x128xf32>
    %max3A_245 = arith.maximumf %add3A_242, %max3A_244 : vector<3136x128xf32>
    %convert_element_type3A_246 = arith.truncf %max3A_245 : vector<3136x128xf32> to vector<3136x128xbf16>
    %get3A_247 = arith.constant 0 : index
    %get3A_248 = arith.constant 0 : index
    %get3A_249 = vector.load %arg16[%get3A_247, %get3A_248] : memref<128x64xbf16, #tpu.memory_space<vmem>>, vector<128x64xbf16>
    %dot_general3A_250 = arith.constant dense<0.000000e+00> : vector<3136x64xf32>
    %dot_general3A_251 = tpu.matmul %convert_element_type3A_246, %get3A_249, %dot_general3A_250 {dimension_numbers = #tpu.dot_dimension_numbers<[1], [0], [0], [1], [0, 0, 1, 1], [], []>, transpose_lhs_hint = false} : vector<3136x128xbf16>, vector<128x64xbf16>, vector<3136x64xf32> -> vector<3136x64xf32>
    %get3A_252 = arith.constant 0 : index
    %get3A_253 = arith.constant 0 : index
    %get3A_254 = vector.load %arg17[%get3A_252, %get3A_253] : memref<1x64xf32, #tpu.memory_space<vmem>>, vector<1x64xf32>
    %add3A_255 = vector.broadcast %get3A_254 : vector<1x64xf32> to vector<3136x64xf32>
    %add3A_256 = arith.addf %dot_general3A_251, %add3A_255 : vector<3136x64xf32>
    %convert_element_type3A_257 = arith.truncf %add3A_256 : vector<3136x64xf32> to vector<3136x64xbf16>
    %get3A_258 = arith.constant 0 : index
    %get3A_259 = arith.constant 0 : index
    %get3A_260 = vector.load %arg18[%get3A_258, %get3A_259] : memref<64x512xbf16, #tpu.memory_space<vmem>>, vector<64x512xbf16>
    %dot_general3A_261 = arith.constant dense<0.000000e+00> : vector<3136x512xf32>
    %dot_general3A_262 = tpu.matmul %convert_element_type3A_257, %get3A_260, %dot_general3A_261 {dimension_numbers = #tpu.dot_dimension_numbers<[1], [0], [0], [1], [0, 0, 1, 1], [], []>, transpose_lhs_hint = false} : vector<3136x64xbf16>, vector<64x512xbf16>, vector<3136x512xf32> -> vector<3136x512xf32>
    %mul3A_263 = arith.mulf %add3A_256, %add3A_256 : vector<3136x64xf32>
    %reduce_sum3A = arith.constant dense<0.000000e+00> : vector<3136xf32>
    %reduce_sum3A_264 = vector.multi_reduction <add>, %mul3A_263, %reduce_sum3A [1] : vector<3136x64xf32> to vector<3136xf32>
    %broadcast_in_dim3A = vector.shape_cast %reduce_sum3A_264 : vector<3136xf32> to vector<3136x1xf32>
    %get3A_265 = arith.constant 0 : index
    %get3A_266 = arith.constant 0 : index
    %get3A_267 = vector.load %arg19[%get3A_265, %get3A_266] : memref<1x512xf32, #tpu.memory_space<vmem>>, vector<1x512xf32>
    %add3A_268 = vector.broadcast %broadcast_in_dim3A : vector<3136x1xf32> to vector<3136x512xf32>
    %add3A_269 = vector.broadcast %get3A_267 : vector<1x512xf32> to vector<3136x512xf32>
    %add3A_270 = arith.addf %add3A_268, %add3A_269 : vector<3136x512xf32>
    %mul3A_271 = arith.constant 2.000000e+00 : f32
    %mul3A_272 = vector.broadcast %mul3A_271 : f32 to vector<3136x512xf32>
    %mul3A_273 = arith.mulf %mul3A_272, %dot_general3A_262 : vector<3136x512xf32>
    %sub3A = arith.subf %add3A_270, %mul3A_273 : vector<3136x512xf32>
    %reduce_min3A = arith.constant dense<0x7F800000> : vector<3136xf32>
    %reduce_min3A_274 = vector.multi_reduction <minimumf>, %sub3A, %reduce_min3A [1] : vector<3136x512xf32> to vector<3136xf32>
    %broadcast_in_dim3A_275 = vector.shape_cast %reduce_min3A_274 : vector<3136xf32> to vector<3136x1xf32>
    %iota3A = tpu.iota {dimensions = array<i32: 1>} : vector<3136x512xi32>
    %convert_element_type3A_276 = arith.sitofp %iota3A : vector<3136x512xi32> to vector<3136x512xf32>
    %eq3A = vector.broadcast %broadcast_in_dim3A_275 : vector<3136x1xf32> to vector<3136x512xf32>
    %eq3A_277 = arith.cmpf oeq, %sub3A, %eq3A : vector<3136x512xf32>
    %jit3A_278 = arith.constant 1.000000e+09 : f32
    %broadcast_in_dim3A_279 = vector.broadcast %jit3A_278 : f32 to vector<3136x512xf32>
    %select_n3A = arith.select %eq3A_277, %convert_element_type3A_276, %broadcast_in_dim3A_279 : vector<3136x512xi1>, vector<3136x512xf32>
    %reduce_min3A_280 = arith.constant dense<0x7F800000> : vector<3136xf32>
    %reduce_min3A_281 = vector.multi_reduction <minimumf>, %select_n3A, %reduce_min3A_280 [1] : vector<3136x512xf32> to vector<3136xf32>
    %broadcast_in_dim3A_282 = vector.shape_cast %reduce_min3A_281 : vector<3136xf32> to vector<3136x1xf32>
    %eq3A_283 = vector.broadcast %broadcast_in_dim3A_282 : vector<3136x1xf32> to vector<3136x512xf32>
    %eq3A_284 = arith.cmpf oeq, %convert_element_type3A_276, %eq3A_283 : vector<3136x512xf32>
    %convert_element_type3A_285 = arith.extui %eq3A_284 : vector<3136x512xi1> to vector<3136x512xi32>
    %convert_element_type3A_286 = arith.sitofp %convert_element_type3A_285 : vector<3136x512xi32> to vector<3136x512xf32>
    %convert_element_type3A_287 = arith.truncf %convert_element_type3A_286 : vector<3136x512xf32> to vector<3136x512xbf16>
    %get3A_288 = arith.constant 0 : index
    %get3A_289 = arith.constant 0 : index
    %get3A_290 = vector.load %arg20[%get3A_288, %get3A_289] : memref<512x64xbf16, #tpu.memory_space<vmem>>, vector<512x64xbf16>
    %dot_general3A_291 = arith.constant dense<0.000000e+00> : vector<3136x64xf32>
    %dot_general3A_292 = tpu.matmul %convert_element_type3A_287, %get3A_290, %dot_general3A_291 {dimension_numbers = #tpu.dot_dimension_numbers<[1], [0], [0], [1], [0, 0, 1, 1], [], []>, transpose_lhs_hint = false} : vector<3136x512xbf16>, vector<512x64xbf16>, vector<3136x64xf32> -> vector<3136x64xf32>
    %swap3A = arith.constant 0 : index
    %swap3A_293 = arith.constant 0 : index
    %swap3A_294 = arith.constant 0 : index
    %swap3A_295 = vector.load %arg23[%swap3A, %swap3A_293, %swap3A_294] : memref<1x3136x64xf32, #tpu.memory_space<vmem>>, vector<1x3136x64xf32>
    %swap3A_296 = vector.shape_cast %swap3A_295 : vector<1x3136x64xf32> to vector<3136x64xf32>
    %swap3A_297 = vector.shape_cast %dot_general3A_292 : vector<3136x64xf32> to vector<1x3136x64xf32>
    tpu.vector_store %arg23[%swap3A, %swap3A_293, %swap3A_294], %swap3A_297 {strides = array<i32>} : memref<1x3136x64xf32, #tpu.memory_space<vmem>>, vector<1x3136x64xf32>,
    return
  }
  func.func @transform_0(%arg0: i32) -> (i32, i32, i32) {
    %c0_i32 = arith.constant 0 : i32
    %c0_i32_0 = arith.constant 0 : i32
    %c0_i32_1 = arith.constant 0 : i32
    return %arg0, %c0_i32, %c0_i32_0 : i32, i32, i32
  }
  func.func @transform_1(%arg0: i32) -> (i32, i32) {
    %c0_i32 = arith.constant 0 : i32
    %c0_i32_0 = arith.constant 0 : i32
    %c0_i32_1 = arith.constant 0 : i32
    return %c0_i32, %c0_i32_0 : i32, i32
  }
  func.func @transform_2(%arg0: i32) -> (i32, i32) {
    %c0_i32 = arith.constant 0 : i32
    %c0_i32_0 = arith.constant 0 : i32
    %c0_i32_1 = arith.constant 0 : i32
    return %c0_i32, %c0_i32_0 : i32, i32
  }
  func.func @transform_3(%arg0: i32) -> (i32, i32) {
    %c0_i32 = arith.constant 0 : i32
    %c0_i32_0 = arith.constant 0 : i32
    %c0_i32_1 = arith.constant 0 : i32
    return %c0_i32, %c0_i32_0 : i32, i32
  }
  func.func @transform_4(%arg0: i32) -> (i32, i32) {
    %c0_i32 = arith.constant 0 : i32
    %c0_i32_0 = arith.constant 0 : i32
    %c0_i32_1 = arith.constant 0 : i32
    return %c0_i32, %c0_i32_0 : i32, i32
  }
  func.func @transform_5(%arg0: i32) -> (i32, i32) {
    %c0_i32 = arith.constant 0 : i32
    %c0_i32_0 = arith.constant 0 : i32
    %c0_i32_1 = arith.constant 0 : i32
    return %c0_i32, %c0_i32_0 : i32, i32
  }
  func.func @transform_6(%arg0: i32) -> (i32, i32) {
    %c0_i32 = arith.constant 0 : i32
    %c0_i32_0 = arith.constant 0 : i32
    %c0_i32_1 = arith.constant 0 : i32
    return %c0_i32, %c0_i32_0 : i32, i32
  }
  func.func @transform_7(%arg0: i32) -> (i32, i32) {
    %c0_i32 = arith.constant 0 : i32
    %c0_i32_0 = arith.constant 0 : i32
    %c0_i32_1 = arith.constant 0 : i32
    return %c0_i32, %c0_i32_0 : i32, i32
  }
  func.func @transform_8(%arg0: i32) -> (i32, i32) {
    %c0_i32 = arith.constant 0 : i32
    %c0_i32_0 = arith.constant 0 : i32
    %c0_i32_1 = arith.constant 0 : i32
    return %c0_i32, %c0_i32_0 : i32, i32
  }
  func.func @transform_9(%arg0: i32) -> (i32, i32) {
    %c0_i32 = arith.constant 0 : i32
    %c0_i32_0 = arith.constant 0 : i32
    %c0_i32_1 = arith.constant 0 : i32
    return %c0_i32, %c0_i32_0 : i32, i32
  }
  func.func @transform_10(%arg0: i32) -> (i32, i32) {
    %c0_i32 = arith.constant 0 : i32
    %c0_i32_0 = arith.constant 0 : i32
    %c0_i32_1 = arith.constant 0 : i32
    return %c0_i32, %c0_i32_0 : i32, i32
  }
  func.func @transform_11(%arg0: i32) -> (i32, i32) {
    %c0_i32 = arith.constant 0 : i32
    %c0_i32_0 = arith.constant 0 : i32
    %c0_i32_1 = arith.constant 0 : i32
    return %c0_i32, %c0_i32_0 : i32, i32
  }
  func.func @transform_12(%arg0: i32) -> (i32, i32) {
    %c0_i32 = arith.constant 0 : i32
    %c0_i32_0 = arith.constant 0 : i32
    %c0_i32_1 = arith.constant 0 : i32
    return %c0_i32, %c0_i32_0 : i32, i32
  }
  func.func @transform_13(%arg0: i32) -> (i32, i32) {
    %c0_i32 = arith.constant 0 : i32
    %c0_i32_0 = arith.constant 0 : i32
    %c0_i32_1 = arith.constant 0 : i32
    return %c0_i32, %c0_i32_0 : i32, i32
  }
  func.func @transform_14(%arg0: i32) -> (i32, i32) {
    %c0_i32 = arith.constant 0 : i32
    %c0_i32_0 = arith.constant 0 : i32
    %c0_i32_1 = arith.constant 0 : i32
    return %c0_i32, %c0_i32_0 : i32, i32
  }
  func.func @transform_15(%arg0: i32) -> (i32, i32) {
    %c0_i32 = arith.constant 0 : i32
    %c0_i32_0 = arith.constant 0 : i32
    %c0_i32_1 = arith.constant 0 : i32
    return %c0_i32, %c0_i32_0 : i32, i32
  }
  func.func @transform_16(%arg0: i32) -> (i32, i32) {
    %c0_i32 = arith.constant 0 : i32
    %c0_i32_0 = arith.constant 0 : i32
    %c0_i32_1 = arith.constant 0 : i32
    return %c0_i32, %c0_i32_0 : i32, i32
  }
  func.func @transform_17(%arg0: i32) -> (i32, i32) {
    %c0_i32 = arith.constant 0 : i32
    %c0_i32_0 = arith.constant 0 : i32
    %c0_i32_1 = arith.constant 0 : i32
    return %c0_i32, %c0_i32_0 : i32, i32
  }
  func.func @transform_18(%arg0: i32) -> (i32, i32) {
    %c0_i32 = arith.constant 0 : i32
    %c0_i32_0 = arith.constant 0 : i32
    %c0_i32_1 = arith.constant 0 : i32
    return %c0_i32, %c0_i32_0 : i32, i32
  }
  func.func @transform_19(%arg0: i32) -> (i32, i32) {
    %c0_i32 = arith.constant 0 : i32
    %c0_i32_0 = arith.constant 0 : i32
    %c0_i32_1 = arith.constant 0 : i32
    return %c0_i32, %c0_i32_0 : i32, i32
  }
  func.func @transform_20(%arg0: i32) -> (i32, i32) {
    %c0_i32 = arith.constant 0 : i32
    %c0_i32_0 = arith.constant 0 : i32
    %c0_i32_1 = arith.constant 0 : i32
    return %c0_i32, %c0_i32_0 : i32, i32
  }
  func.func @transform_21(%arg0: i32) -> (i32, i32) {
    %c0_i32 = arith.constant 0 : i32
    %c0_i32_0 = arith.constant 0 : i32
    %c0_i32_1 = arith.constant 0 : i32
    return %c0_i32, %c0_i32_0 : i32, i32
  }
  func.func @transform_22(%arg0: i32) -> (i32, i32, i32) {
    %c0_i32 = arith.constant 0 : i32
    %c0_i32_0 = arith.constant 0 : i32
    %c0_i32_1 = arith.constant 0 : i32
    return %arg0, %c0_i32, %c0_i32_0 : i32, i32, i32
  }
}

</mosaic_0001>

<sc_bundles>
// kernel: sparse-core-data-format-call.cloned.1.call-start
scs
called_computation_lowered:
.L_overlay_start_0:
0x0: {  	s2 =	sld [smem:$0x3FD9]  }
0x1: {  	s3 =	sld [smem:$0x3FFE];
	_ =	sdelay $0x1  }
0x2: {  	s1 =	srdreg.scid  }
0x3: {  	s0 =	sand.u32 $0x1, s1  }
0x4: {  	s18 =	sshll.u32 s0, $0xA;
	s2 =	sadd.s32 s3, s2  }
0x5: {  	s2 =	sadd.s32 s2, s18  }
0x6: {  	[smem:$0x3FB6] =	sst s2  }
0x7: {  	_ = 	snop  }
0x8: {  	s2 =	sld [smem:$0x3FD0];
	(tm) =	ssettm $0x1  }
0x9: {  	s19 =	sld [smem:$0x3FFB];
	_ =	sdelay $0x3  }
0xa: {  	_ =	strace s19  }
0xb: {  	s3 =	sld [smem:$0x3FFC];
	_ =	sdelay $0x3  }
0xc: {  	_ =	strace s3  }
0xd: {  	s3 =	sld [smem:$0x3FFD];
	_ =	sdelay $0x3  }
0xe: {  	_ =	strace s3  }
0xf: {  	_ =	strace $0x8FFFFFFF  }
0x10: {  	s20 =	sld [smem:$0x3FDB];
	_ =	sdelay $0x1  }
0x11: {  	s4 =	simm.s32 $_scs_section_size  }
0x12: {  	s5 =	simm.s32 $_size__tile_overlayer_lowered;
	s6 =	simm.s32 $_tile_overlayer_lowered  }
0x13: {  	s23 =	simm.s32 $0x1BFF;
	s22 =	sshll.u32 s6, $0x1;
	s3 =	sadd.s32 s4, s20  }
0x14: {  	s7 =	simm.s32 $0x0;
	s21 =	sshll.u32 s5, $0x1;
	s5 =	sadd.s32 s22, s3  }
0x15: {  	[timem:s7], [sflag:s23] =	dma.local [hbm:s5], s21  }
0x16: {  	_ =	swait.ge [sflag:s23], s21  }
0x17: {  	s4 =	ssub.s32 $0x0, s21;
	[sflag:s23] =	ssyncset.done $0x0  }
0x18: {  	[sflag:s23] =	ssyncadd.s32 s4;
	_ =	sdelay $0x1  }
0x19: {  	s24 =	simm.s32 $0x1B8B  }
0x1a: {  	_ =	swait.ge [sflag:s24], $0x1  }
0x1b: {  	[sflag:s24] =	ssyncset.done $0x0  }
0x1c: {  	s26 =	simm.s32 $0x1B8E;
	s25 =	sld [smem:$0x3FFE];
	[sflag:s24] =	ssyncadd.s32 $0xFFFFFFFF  }
0x1d: {  	s27 =	simm.s32 $execute0_lowered;
	[smem:$0x3FD2] =	sst s26  }
0x1e: {  	s5 =	sshll.u32 s27, $0x1;
	_ =	strace $0x80000046;
	[dreg:$0x1] =	wrdreg $0xFFFFFFFF  }
0x1f: {  	s28 =	simm.s32 $_size_execute0_lowered;
	s3 =	sadd.s32 s3, s5;
	[dreg:$0x0] =	wrdreg $0x0  }
0x20: {  	s5 =	sshll.u32 s28, $0x1;
	[dreg:$0x2] =	wrdreg s3  }
0x21: {  	[dreg:$0x3] =	wrdreg s5  }
0x22: {  	[dreg:$0x4] =	wrdreg $0xC0  }
0x23: {  	_ =	task [dreg:s7], $0x5FFFF  }
0x24: {  	[dreg:$0x1] =	wrdreg $0xFFFFFFFF  }
0x25: {  	[dreg:$0x0] =	wrdreg $0x60  }
0x26: {  	[dreg:$0x2] =	wrdreg s2  }
0x27: {  	[dreg:$0x3] =	wrdreg s25  }
0x28: {  	[dreg:$0x4] =	wrdreg $0x9  }
0x29: {  	_ =	task.clear_ibuf [dreg:s7], $0x5FFFF;
	_ =	strace $0x90000046  }
0x2a: {  	s29 =	simm.s32 $0x9;
	_ =	strace $0x80000048  }
0x2b: {  	_ =	swait.ge [sflag:s29], $0x1  }
0x2c: {  	[sflag:s29] =	ssyncadd.s32 $0xFFFFFFFF  }
0x2d: {  	_ =	strace $0x90000048  }
0x2e: {  	_ =	sfence  }
0x2f: {  	s30 =	sld [smem:$0x0];
	_ =	sdelay $0x2  }
0x30: {  	s31 =	sshll.u32 s1, $0xD;
	s1 =	sshrl.u32 s1, $0x2  }
0x31: {  	s3 =	sand.u32 $0x4000, s31;
	s1 =	sadd.s32 s1, s30  }
0x32: {  	s0 =	sor.u32 s3, s0;
	s1 =	sshll.u32 s1, $0x11  }
0x33: {  	s0 =	sor.u32 s1, s0  }
0x34: {  	s0 =	sadd.s32 $0x8F2B, s0  }
0x35: {  	[sflag:s0] =	ssyncadd.remote.s32 $0x1  }
0x36: {  	_ =	sfence.sel $0xFFFF  }
0x37: {  	[dreg:$0x0] =	wrdreg $0xFFFFFFFF;
	(pc) =	sbr.abs _section_cstart, $3  }
0x38: {  	[dreg:$0x1] =	wrdreg $0xFFFFFFFF  }
0x39: {  	_ =	task.clear_ibuf [dreg:s7], $0x2FFFF;
	_ =	strace $0x9FFFFFFF  }
0x3a: {  	(tm) =	ssettm $0x7FFFFFFF  }
0x3b: {  	_ =	shalt  }
tec
execute0_lowered:
.L_overlay_start_1:
0x0: {  	(tag) =	ssettag $0x1  }
0x1: {  	s2 =	rddreg [dreg:$0x0]  }
0x2: {  	s0 =	srdreg.scid;
	s6 =	rddreg [dreg:$0x1]  }
0x3: {  	s7 =	simm.s32 $0x2;
	s14 =	simm.s32 $0x0;
	s1 =	sshll.u32 s0, $0x4  }
0x4: {  	s8 =	simm.s32 $0x40;
	s0 =	stileid.u32;
	s1 =	sand.u32 $0x10, s1  }
0x5: {  	s9 =	simm.s32 $0x62000;
	s10 =	simm.s32 $0x0;
	s3 =	sor.u32 s0, s1  }
.Ltmp0:
0x6: {  	s15 =	simm.s32 $0x0;
	s4 =	ssub.s32 $0x57, s3;
	(pc) =	sbr.rel .LBB1_1-.Ltmp0, $4  }
0x7: {  	s11 =	simm.s32 $0x0;
	s1 =	rddreg [dreg:$0x2];
	s5 =	sshrl.u32 s4, $0x5  }
0x8: {  	_ =	strace $0x80000047;
	s4 =	simm.s32 $0x1;
	s5 =	smul.u32 $0x38, s5  }
0x9: {  	s13 =	simm.s32 $0x0;
	s6 =	sadd.s32 $0x2A00, s6;
	[sflag:s4] =	ssyncpa.u1 $0x0  }
0xa: {  	s12 =	smov.u32 s3;
	[sflag:s7] =	ssyncpa.u1 $0x0;
	s7 =	sor.u32 $0x1, s5  }
.LBB1_4:
0xb: {  	s14 =	sand.u32 $0x1FFFFFF, s14  }
0xc: {  	s18 =	smulhi.u32 $0x4924925, s14;
	_ =	sdelay $0x1  }
0xd: {  	s18 =	smul.u32 $0x38, s18  }
0xe: {  	[tilespmem:v1+s16+$0x10 ss:$0x1] =	vst.idx.msk $0xffff, v2;
	s15 =	smul.u32 $0x380, s15  }
0xf: {  	[tilespmem:v1+s16+$0xFFFFFFE0 ss:$0x1] =	vst.idx.msk $0xffff, v3;
	s14 =	ssub.s32 s14, s18  }
0x10: {  	[tilespmem:v1+s16+$0xFFFFFFF0 ss:$0x1] =	vst.idx.msk $0xffff, v4;
	s15 =	sadd.s32 s6, s15;
	s14 =	sshll.u32 s14, $0x4  }
0x11: {  	[tilespmem:v1+s16+$0x0 ss:$0x1] =	vst.idx.msk $0xffff, v5;
	s14 =	sadd.s32 s14, s15  }
0x12: {  	[hbm4b:s14+s8] =	stream.strided.scatter [tilespmem:s17], [sflag:$0x2], $0x1000, s9, s8, $0x38;
	[tilespmem:$0x4000] =	vst v63  }
.LBB1_5:
0x13: {  	s16 =	sadd.s32 $0x1, s11  }
0x14: {  	s14 =	sadd.s32 $0x20, s12;
	s18 =	smov.u32 s12;
	p1 =	sgt.s32 s16, $0x37  }
0x15: {  	s18 =	smov.u32 @p1 s14  }
0x16: {  	s16 =	simm.s32 @p1 $0x0;
	p1 =	sgt.s32 s18, $0x37  }
0x17: {  	s18 =	smov.u32 @p1 s3;
	p1 =	sne.s32 s13, s7  }
.Ltmp1:
0x18: {  	p0 =	slt.u32 s13, $0x2;
	(pc) =	sbr.rel @!p1 .LBB1_6-.Ltmp1, $4  }
0x19: {  	s17 =	simm.s32 @!p0 $0x2  }
0x1a: {  	s15 =	smov.u32 s12;
	s10 =	sadd.s32 $0x1000, s10;
	_ =	swait.ge @!p0 [sflag:s17], $0x1000  }
0x1b: {  	s14 =	smov.u32 s11;
	[sflag:s17] =	ssyncset.done @!p0 $0x0;
	s11 =	smov.u32 s16  }
0x1c: {  	s13 =	sadd.s32 $0x1, s13;
	[sflag:s17] =	ssyncadd.s32 @!p0 $0xFFFFF000;
	s12 =	smov.u32 s18  }
.LBB1_1:
0x1d: {  	p0 =	sge.u32 s13, s5  }
0x1e: {  	s17 =	smul.u32 @!p0 $0xE000, s12  }
0x1f: {  	s31 =	sadd.s32 $0xFFFFFFFF, s13;
	s16 =	sxor.u32 @!p0 $0xFFFFFFFF, s13;
	s18 =	sshll.u32 @!p0 s11, $0xA  }
0x20: {  	s19 =	simm.s32 @!p0 $0x80;
	s16 =	sshll.u32 @!p0 s16, $0xC;
	s17 =	sadd.s32 @!p0 s2, s17  }
0x21: {  	s16 =	sand.u32 @!p0 $0x1000, s16;
	s17 =	sadd.s32 @!p0 s18, s17;
	s18 =	simm.s32 @!p0 $0x40  }
0x22: {  	[tilespmem:s16], [sflag:$0x1] =	stream.strided.gather @!p0 [hbm4b:s17+s18], $0x1000, s19, s18, $0x38;
	[tilespmem:$0x4000] =	vst v63  }
0x23: {  	p0 =	sge.u32 s31, s5  }
.Ltmp2:
0x24: {  	_ = 	snop;
	(pc) =	sbr.rel @p0 .LBB1_5-.Ltmp2, $1  }
0x25: {  	_ =	sdelay $0x3  }
0x26: {  	s17 =	sand.u32 $0x1000, s10  }
0x27: {  	v0 =	vmov s17;
	_ =	sdelay $0x1  }
0x28: {  	_ =	swait.ge [sflag:s4], $0x1000  }
0x29: {  	[sflag:s4] =	ssyncset.done $0x0  }
0x2a: {  	s16 =	simm.s32 $0x0;
	[sflag:s4] =	ssyncadd.s32 $0xFFFFF000  }
0x2b: {  	s19 =	sor.u32 $0x2020, s17;
	v2 =	vld.idx.msk [tilespmem:v0+s16+$0x30 ss:$0x1], $0xffff  }
0x2c: {  	s18 =	sshll.u32 s13, $0xC;
	v1 =	vmov s19;
	v3 =	vld.idx.msk [tilespmem:v0+s16+$0x0 ss:$0x1], $0xffff  }
0x2d: {  	s31 =	sand.u32 $0x1000, s18;
	v4 =	vld.idx.msk [tilespmem:v0+s16+$0x10 ss:$0x1], $0xffff  }
0x2e: {  	s18 =	simm.s32 $0x100;
	s17 =	sor.u32 $0x2000, s31;
	v5 =	vld.idx.msk [tilespmem:v0+s16+$0x20 ss:$0x1], $0xffff  }
.LBB1_3:
0x2f: {  	p0 =	sne.s32 s18, $0x3F00  }
.Ltmp3:
0x30: {  	s19 =	sshra.s32 s18, $0x2;
	s18 =	sadd.s32 $0x100, s18;
	(pc) =	sbr.rel @p0 .LBB1_3-.Ltmp3, $4  }
0x31: {  	[tilespmem:v1+s16+$0x10 ss:$0x1] =	vst.idx.msk $0xffff, v2;
	v2 =	vld.idx.msk [tilespmem:v0+s19+$0x30 ss:$0x1], $0xffff  }
0x32: {  	[tilespmem:v1+s16+$0xFFFFFFE0 ss:$0x1] =	vst.idx.msk $0xffff, v3;
	v3 =	vld.idx.msk [tilespmem:v0+s19+$0x0 ss:$0x1], $0xffff  }
0x33: {  	[tilespmem:v1+s16+$0xFFFFFFF0 ss:$0x1] =	vst.idx.msk $0xffff, v4;
	v4 =	vld.idx.msk [tilespmem:v0+s19+$0x10 ss:$0x1], $0xffff  }
0x34: {  	[tilespmem:v1+s16+$0x0 ss:$0x1] =	vst.idx.msk $0xffff, v5;
	v5 =	vld.idx.msk [tilespmem:v0+s19+$0x20 ss:$0x1], $0xffff;
	s16 =	smov.u32 s19  }
.Ltmp4:
0x35: {  	_ = 	snop;
	(pc) =	sbr.rel .LBB1_4-.Ltmp4, $1  }
0x36: {  	_ =	sdelay $0x3  }
.LBB1_6:
0x37: {  	_ =	sfence.sel $0x180000  }
0x38: {  	s2 =	simm.s32 $0x1;
	[bflag:$0x0] =	sbarrier.arrive $0xFFFF  }
0x39: {  	s31 =	simm.s32 $0x2;
	[sflag:s2] =	ssyncpa.u1 $0x1  }
0x3a: {  	[sflag:s31] =	ssyncpa.u1 $0x1  }
0x3b: {  	p0 =	sne.s32 s0, $0x0;
	_ =	strace $0x90000047  }
0x3c: {  	s0 =	sadd.s32 @!p0 $0x100000, s1;
	[bflag:$0x2] =	sbarrier.arrive $0xFFFF  }
0x3d: {  	[sflag:s0] =	ssyncadd.tile.s32 @!p0 $0x1;
	_ =	shalt  }
.Lfunc_end1:
_tile_overlayer_lowered:
.L_overlay_start_2:
0x3e: {  	(tag) =	ssettag $0x2  }
0x3f: {  	s0 =	rddreg [dreg:$0x0];
	s2 =	stileid.u32  }
0x40: {  	s1 =	rddreg [dreg:$0x1];
	p0 =	sne.s32 s2, $0x0  }
0x41: {  	s3 =	rddreg [dreg:$0x2];
	[bflag:$0x3] =	sbarrier.arrive $0xFFFF;
	s2 =	simm.s32 @!p0 $0x1C01  }
0x42: {  	[timem:s3], [sflag:s2] =	dma.local @!p0 [hbm:s0], s1  }
0x43: {  	s0 =	simm.s32 @!p0 $0x1  }
0x44: {  	_ =	swait.ge @!p0 [sflag:s0], s1  }
0x45: {  	s1 =	ssub.s32 @!p0 $0x0, s1;
	[sflag:s0] =	ssyncset.done @!p0 $0x0  }
0x46: {  	[sflag:s0] =	ssyncadd.s32 @!p0 s1  }
0x47: {  	[bflag:$0x3] =	sbarrier.arrive $0xFFFF  }
0x48: {  	_ =	shalt  }

</sc_bundles>
